<compile_context>
chip_gen: v7x
topology: tpu7x:2x2x1
jax: 0.10.2.dev20260603
libtpu: 0.0.44.dev20260713+nightly
codegen_flags: <defaults>
</compile_context>

<pallas_src>
import functools

import jax
import jax.numpy as jnp
from jax import lax
from jax.experimental import pallas as pl
from jax.experimental.pallas import tpu as pltpu
from jax.experimental.pallas import tpu_sc as plsc

VOCAB = 100000
EMBED_DIM = 64
PADDED = 128
BATCH = 4096
HIST = 50

TOTAL = BATCH * HIST
NUM_CORES = 2
NUM_SUBCORES = 16
NW = NUM_CORES * NUM_SUBCORES
BPW = TOTAL // NW
CHUNK = 400
NCHUNK = BPW // CHUNK
NBUF = 4

_mesh = plsc.VectorSubcoreMesh(core_axis_name="c", subcore_axis_name="s")


@functools.partial(
    pl.kernel,
    out_type=jax.ShapeDtypeStruct((TOTAL, PADDED), jnp.float32),
    mesh=_mesh,
    scratch_types=[
        pltpu.VMEM((BPW,), jnp.int32),
        pltpu.VMEM((CHUNK, EMBED_DIM), jnp.float32),
        pltpu.VMEM((CHUNK, EMBED_DIM), jnp.float32),
        pltpu.VMEM((CHUNK, EMBED_DIM), jnp.float32),
        pltpu.VMEM((CHUNK, EMBED_DIM), jnp.float32),
        pltpu.SemaphoreType.DMA,
        pltpu.SemaphoreType.DMA,
        pltpu.SemaphoreType.DMA,
        pltpu.SemaphoreType.DMA,
        pltpu.SemaphoreType.DMA,
        pltpu.SemaphoreType.DMA,
        pltpu.SemaphoreType.DMA,
        pltpu.SemaphoreType.DMA,
    ],
    compiler_params=pltpu.CompilerParams(use_tc_tiling_on_sc=False),
)
def _embed_gather(table_hbm, idx_hbm, out_hbm, idx_v, rows0, rows1, rows2,
                  rows3, g0, g1, g2, g3, s0, s1, s2, s3):
    wid = lax.axis_index("s") * NUM_CORES + lax.axis_index("c")
    base = wid * BPW
    pltpu.sync_copy(idx_hbm.at[pl.ds(base, BPW)], idx_v)

    rows = (rows0, rows1, rows2, rows3)
    gsem = (g0, g1, g2, g3)
    ssem = (s0, s1, s2, s3)

    def gather(n, b):
        off = pl.multiple_of(n * CHUNK, CHUNK)
        pltpu.async_copy(table_hbm.at[idx_v.at[pl.ds(off, CHUNK)]],
                         rows[b], gsem[b])

    def store(n, b):
        off = pl.multiple_of(n * CHUNK, CHUNK)
        pltpu.async_copy(
            rows[b],
            out_hbm.at[pl.ds(base + off, CHUNK), pl.ds(0, EMBED_DIM)],
            ssem[b])

    def wait_gather(b):
        pltpu.make_async_copy(table_hbm.at[idx_v.at[pl.ds(0, CHUNK)]],
                              rows[b], gsem[b]).wait()

    def wait_store(b):
        pltpu.make_async_copy(
            rows[b],
            out_hbm.at[pl.ds(0, CHUNK), pl.ds(0, EMBED_DIM)],
            ssem[b]).wait()

    for b in range(NBUF):
        gather(b, b)

    def body(i, carry):
        for b in range(NBUF):
            n = NBUF * i + b
            wait_gather(b)
            store(n, b)

            @pl.when(n + NBUF < NCHUNK)
            def _():
                wait_store(b)
                gather(n + NBUF, b)

        return carry

    lax.fori_loop(0, NCHUNK // NBUF, body, 0)


def kernel(input_tensor, table):
    tpad = jnp.pad(table, ((0, 0), (0, PADDED - EMBED_DIM)))
    t2 = tpad.reshape(2 * VOCAB, EMBED_DIM)
    idxt = input_tensor.T.reshape(-1).astype(jnp.int32) * 2
    out = _embed_gather(t2, idxt)
    out = out.reshape(HIST, BATCH, PADDED)[:, :, :EMBED_DIM]
    return out.transpose(1, 0, 2)

# --- scband reference (transcript-rebuilt; emitter-appended) ---
"""Pipeline reference for scband-embedding-layer-7722351198829 (READ-ONLY COPY).

The authoritative reference and input builder live on the scoring server;
editing this copy changes nothing except your own understanding.
"""

import jax, jax.numpy as jnp
import numpy as np

VOCAB = 100000
EMBED_DIM = 64
BATCH = 4096
HIST = 50

def setup_inputs(seed: int = 0) -> dict:
    key = jax.random.key(seed)
    k_idx, k_tab = jax.random.split(key)
    input_tensor = jax.random.randint(k_idx, (BATCH, HIST), 0, VOCAB, dtype=jnp.int64 if jax.config.jax_enable_x64 else jnp.int32)
    table = jax.random.normal(k_tab, (VOCAB, EMBED_DIM), dtype=jnp.float32) * 0.02
    return {"input_tensor": input_tensor, "table": table}

def reference(input_tensor, table):
    # Faithful to keras Embedding: gather rows of the embedding table by index.
    features = jnp.take(table, input_tensor, axis=0)
    return features

if __name__ == "__main__":
    import jax
    _d = setup_inputs()
    print(jax.jit(kernel)(*tuple(_d.values())))

</pallas_src>

<mosaic_0001>
#map = affine_map<(d0, d1) -> (0, 0)>
#map1 = affine_map<(d0, d1) -> (0)>
module attributes {stable_mosaic.version = 14 : i64} {
  func.func @_embed_gather(%arg0: i32, %arg1: i32, %arg2: memref<200000x64xf32, #tpu.memory_space<hbm>>, %arg3: memref<204800xi32, #tpu.memory_space<hbm>>, %arg4: memref<204800x128xf32, #tpu.memory_space<hbm>>, %arg5: memref<6400xi32, #tpu.memory_space<vmem>>, %arg6: memref<400x64xf32, #tpu.memory_space<vmem>>, %arg7: memref<400x64xf32, #tpu.memory_space<vmem>>, %arg8: memref<400x64xf32, #tpu.memory_space<vmem>>, %arg9: memref<400x64xf32, #tpu.memory_space<vmem>>, %arg10: memref<!tpu.dma_semaphore, #tpu.memory_space<semaphore_mem>>, %arg11: memref<!tpu.dma_semaphore, #tpu.memory_space<semaphore_mem>>, %arg12: memref<!tpu.dma_semaphore, #tpu.memory_space<semaphore_mem>>, %arg13: memref<!tpu.dma_semaphore, #tpu.memory_space<semaphore_mem>>, %arg14: memref<!tpu.dma_semaphore, #tpu.memory_space<semaphore_mem>>, %arg15: memref<!tpu.dma_semaphore, #tpu.memory_space<semaphore_mem>>, %arg16: memref<!tpu.dma_semaphore, #tpu.memory_space<semaphore_mem>>, %arg17: memref<!tpu.dma_semaphore, #tpu.memory_space<semaphore_mem>>) attributes {dimension_semantics = [#tpu.dimension_semantics<core_parallel>, #tpu.dimension_semantics<subcore_parallel>], iteration_bounds = array<i64: 2, 16>, scalar_prefetch = 0 : i64, scratch_operands = 13 : i64, tpu.core_type = #tpu.core_type<sc_vector_subcore>, window_params = [{transform_indices = #map}, {transform_indices = #map1}, {transform_indices = #map}]} {
    %mul3A = arith.constant 2 : i32
    %mul3A_0 = arith.muli %arg1, %mul3A : i32
    %add3A = arith.addi %mul3A_0, %arg0 : i32
    %mul3A_1 = arith.constant 6400 : i32
    %mul3A_2 = arith.muli %add3A, %mul3A_1 : i32
    "tpu.region"() ({
      %run_scoped3A = tpu.sem_alloc : memref<!tpu.dma_semaphore, #tpu.memory_space<semaphore_mem>>
      %dma_start3A_30 = tpu.memref_slice %arg3[%mul3A_2] : memref<204800xi32, #tpu.memory_space<hbm>> -> memref<6400xi32, #tpu.memory_space<hbm>>
      %dma_start3A_31 = tpu.memref_slice %arg3[%mul3A_2] : memref<204800xi32, #tpu.memory_space<hbm>> -> memref<6400xi32, #tpu.memory_space<hbm>>
      tpu.enqueue_dma source(%dma_start3A_31 : memref<6400xi32, #tpu.memory_space<hbm>>) target(%arg5 : memref<6400xi32, #tpu.memory_space<vmem>>) target_semaphore(%run_scoped3A : memref<!tpu.dma_semaphore, #tpu.memory_space<semaphore_mem>>)
      %dma_wait3A = tpu.memref_slice %arg3[%mul3A_2] : memref<204800xi32, #tpu.memory_space<hbm>> -> memref<6400xi32, #tpu.memory_space<hbm>>
      %dma_wait3A_32 = tpu.memref_slice %arg3[%mul3A_2] : memref<204800xi32, #tpu.memory_space<hbm>> -> memref<6400xi32, #tpu.memory_space<hbm>>
      tpu.wait_dma2 semaphore(%run_scoped3A : memref<!tpu.dma_semaphore, #tpu.memory_space<semaphore_mem>>) src(%dma_wait3A_32 : memref<6400xi32, #tpu.memory_space<hbm>>) dst(%arg5 : memref<6400xi32, #tpu.memory_space<vmem>>)
      tpu.yield
    }) : () -> ()
    %multiple_of3A = arith.constant 0 : i32
    %multiple_of3A_3 = tpu.assume_multiple %multiple_of3A, 400 : i32
    %dma_start3A = tpu.memref_slice %arg5[%multiple_of3A_3] : memref<6400xi32, #tpu.memory_space<vmem>> -> memref<400xi32, #tpu.memory_space<vmem>>
    %dma_start3A_4 = arith.constant 0 : i32
    %dma_start3A_5 = arith.constant 0 : i32
    %dma_start3A_6 = tpu.memref_slice %arg2[%dma_start3A_4, %dma_start3A_5] : memref<200000x64xf32, #tpu.memory_space<hbm>> -> memref<200000x64xf32, #tpu.memory_space<hbm>>
    tpu.enqueue_indirect_dma source(%dma_start3A_6 : memref<200000x64xf32, #tpu.memory_space<hbm>>) target(%arg6 : memref<400x64xf32, #tpu.memory_space<vmem>>) offsets(%dma_start3A : memref<400xi32, #tpu.memory_space<vmem>>) semaphore(%arg10 : memref<!tpu.dma_semaphore, #tpu.memory_space<semaphore_mem>>)
    %multiple_of3A_7 = arith.constant 400 : i32
    %multiple_of3A_8 = tpu.assume_multiple %multiple_of3A_7, 400 : i32
    %dma_start3A_9 = tpu.memref_slice %arg5[%multiple_of3A_8] : memref<6400xi32, #tpu.memory_space<vmem>> -> memref<400xi32, #tpu.memory_space<vmem>>
    %dma_start3A_10 = arith.constant 0 : i32
    %dma_start3A_11 = arith.constant 0 : i32
    %dma_start3A_12 = tpu.memref_slice %arg2[%dma_start3A_10, %dma_start3A_11] : memref<200000x64xf32, #tpu.memory_space<hbm>> -> memref<200000x64xf32, #tpu.memory_space<hbm>>
    tpu.enqueue_indirect_dma source(%dma_start3A_12 : memref<200000x64xf32, #tpu.memory_space<hbm>>) target(%arg7 : memref<400x64xf32, #tpu.memory_space<vmem>>) offsets(%dma_start3A_9 : memref<400xi32, #tpu.memory_space<vmem>>) semaphore(%arg11 : memref<!tpu.dma_semaphore, #tpu.memory_space<semaphore_mem>>)
    %multiple_of3A_13 = arith.constant 800 : i32
    %multiple_of3A_14 = tpu.assume_multiple %multiple_of3A_13, 400 : i32
    %dma_start3A_15 = tpu.memref_slice %arg5[%multiple_of3A_14] : memref<6400xi32, #tpu.memory_space<vmem>> -> memref<400xi32, #tpu.memory_space<vmem>>
    %dma_start3A_16 = arith.constant 0 : i32
    %dma_start3A_17 = arith.constant 0 : i32
    %dma_start3A_18 = tpu.memref_slice %arg2[%dma_start3A_16, %dma_start3A_17] : memref<200000x64xf32, #tpu.memory_space<hbm>> -> memref<200000x64xf32, #tpu.memory_space<hbm>>
    tpu.enqueue_indirect_dma source(%dma_start3A_18 : memref<200000x64xf32, #tpu.memory_space<hbm>>) target(%arg8 : memref<400x64xf32, #tpu.memory_space<vmem>>) offsets(%dma_start3A_15 : memref<400xi32, #tpu.memory_space<vmem>>) semaphore(%arg12 : memref<!tpu.dma_semaphore, #tpu.memory_space<semaphore_mem>>)
    %multiple_of3A_19 = arith.constant 1200 : i32
    %multiple_of3A_20 = tpu.assume_multiple %multiple_of3A_19, 400 : i32
    %dma_start3A_21 = tpu.memref_slice %arg5[%multiple_of3A_20] : memref<6400xi32, #tpu.memory_space<vmem>> -> memref<400xi32, #tpu.memory_space<vmem>>
    %dma_start3A_22 = arith.constant 0 : i32
    %dma_start3A_23 = arith.constant 0 : i32
    %dma_start3A_24 = tpu.memref_slice %arg2[%dma_start3A_22, %dma_start3A_23] : memref<200000x64xf32, #tpu.memory_space<hbm>> -> memref<200000x64xf32, #tpu.memory_space<hbm>>
    tpu.enqueue_indirect_dma source(%dma_start3A_24 : memref<200000x64xf32, #tpu.memory_space<hbm>>) target(%arg9 : memref<400x64xf32, #tpu.memory_space<vmem>>) offsets(%dma_start3A_21 : memref<400xi32, #tpu.memory_space<vmem>>) semaphore(%arg13 : memref<!tpu.dma_semaphore, #tpu.memory_space<semaphore_mem>>)
    %scan3A = arith.constant 0 : i32
    %scan3A_25 = arith.constant 0 : i32
    %scan3A_26 = arith.constant 4 : i32
    %scan3A_27 = arith.addi %scan3A_25, %scan3A_26 : i32
    %scan3A_28 = arith.constant 1 : i32
    scf.for %scan3A_30 = %scan3A_25 to %scan3A_27 step %scan3A_28  : i32 {
      %mul3A_31 = arith.constant 4 : i32
      %mul3A_32 = arith.muli %mul3A_31, %scan3A_30 : i32
      %add3A_33 = arith.constant 0 : i32
      %add3A_34 = arith.addi %mul3A_32, %add3A_33 : i32
      %dma_wait3A = arith.constant 0 : i32
      %dma_wait3A_35 = tpu.memref_slice %arg5[%dma_wait3A] : memref<6400xi32, #tpu.memory_space<vmem>> -> memref<400xi32, #tpu.memory_space<vmem>>
      %dma_wait3A_36 = arith.constant 0 : i32
      %dma_wait3A_37 = arith.constant 0 : i32
      %dma_wait3A_38 = tpu.memref_slice %arg2[%dma_wait3A_36, %dma_wait3A_37] : memref<200000x64xf32, #tpu.memory_space<hbm>> -> memref<200000x64xf32, #tpu.memory_space<hbm>>
      tpu.wait_indirect_dma semaphore(%arg10 : memref<!tpu.dma_semaphore, #tpu.memory_space<semaphore_mem>>) src(%dma_wait3A_38 : memref<200000x64xf32, #tpu.memory_space<hbm>>) dst(%arg6 : memref<400x64xf32, #tpu.memory_space<vmem>>)
      %mul3A_39 = arith.constant 400 : i32
      %mul3A_40 = arith.muli %add3A_34, %mul3A_39 : i32
      %multiple_of3A_41 = tpu.assume_multiple %mul3A_40, 400 : i32
      %add3A_42 = arith.addi %mul3A_2, %multiple_of3A_41 : i32
      %dma_start3A_43 = arith.constant 0 : i32
      %dma_start3A_44 = tpu.memref_slice %arg4[%add3A_42, %dma_start3A_43] : memref<204800x128xf32, #tpu.memory_space<hbm>> -> memref<400x64xf32, #tpu.memory_space<hbm>>
      %dma_start3A_45 = arith.constant 0 : i32
      %dma_start3A_46 = tpu.memref_slice %arg4[%add3A_42, %dma_start3A_45] : memref<204800x128xf32, #tpu.memory_space<hbm>> -> memref<400x64xf32, #tpu.memory_space<hbm>>
      tpu.enqueue_dma source(%arg6 : memref<400x64xf32, #tpu.memory_space<vmem>>) target(%dma_start3A_46 : memref<400x64xf32, #tpu.memory_space<hbm>>) target_semaphore(%arg14 : memref<!tpu.dma_semaphore, #tpu.memory_space<semaphore_mem>>)
      %add3A_47 = arith.constant 4 : i32
      %add3A_48 = arith.addi %add3A_34, %add3A_47 : i32
      %lt3A = arith.constant 16 : i32
      %lt3A_49 = arith.cmpi slt, %add3A_48, %lt3A : i32
      %convert_element_type3A = arith.extui %lt3A_49 : i1 to i32
      %cond3A = arith.constant 0 : i32
      %cond3A_50 = arith.cmpi ne, %convert_element_type3A, %cond3A : i32
      scf.if %cond3A_50 {
        %dma_wait3A_123 = arith.constant 0 : i32
        %dma_wait3A_124 = arith.constant 0 : i32
        %dma_wait3A_125 = tpu.memref_slice %arg4[%dma_wait3A_123, %dma_wait3A_124] : memref<204800x128xf32, #tpu.memory_space<hbm>> -> memref<400x64xf32, #tpu.memory_space<hbm>>
        %dma_wait3A_126 = arith.constant 0 : i32
        %dma_wait3A_127 = arith.constant 0 : i32
        %dma_wait3A_128 = tpu.memref_slice %arg4[%dma_wait3A_126, %dma_wait3A_127] : memref<204800x128xf32, #tpu.memory_space<hbm>> -> memref<400x64xf32, #tpu.memory_space<hbm>>
        tpu.wait_dma2 semaphore(%arg14 : memref<!tpu.dma_semaphore, #tpu.memory_space<semaphore_mem>>) src(%arg6 : memref<400x64xf32, #tpu.memory_space<vmem>>) dst(%dma_wait3A_128 : memref<400x64xf32, #tpu.memory_space<hbm>>)
        %add3A_129 = arith.constant 4 : i32
        %add3A_130 = arith.addi %add3A_34, %add3A_129 : i32
        %mul3A_131 = arith.constant 400 : i32
        %mul3A_132 = arith.muli %add3A_130, %mul3A_131 : i32
        %multiple_of3A_133 = tpu.assume_multiple %mul3A_132, 400 : i32
        %dma_start3A_134 = tpu.memref_slice %arg5[%multiple_of3A_133] : memref<6400xi32, #tpu.memory_space<vmem>> -> memref<400xi32, #tpu.memory_space<vmem>>
        %dma_start3A_135 = arith.constant 0 : i32
        %dma_start3A_136 = arith.constant 0 : i32
        %dma_start3A_137 = tpu.memref_slice %arg2[%dma_start3A_135, %dma_start3A_136] : memref<200000x64xf32, #tpu.memory_space<hbm>> -> memref<200000x64xf32, #tpu.memory_space<hbm>>
        tpu.enqueue_indirect_dma source(%dma_start3A_137 : memref<200000x64xf32, #tpu.memory_space<hbm>>) target(%arg6 : memref<400x64xf32, #tpu.memory_space<vmem>>) offsets(%dma_start3A_134 : memref<400xi32, #tpu.memory_space<vmem>>) semaphore(%arg10 : memref<!tpu.dma_semaphore, #tpu.memory_space<semaphore_mem>>)
      } else {
      }
      %mul3A_51 = arith.constant 4 : i32
      %mul3A_52 = arith.muli %mul3A_51, %scan3A_30 : i32
      %add3A_53 = arith.constant 1 : i32
      %add3A_54 = arith.addi %mul3A_52, %add3A_53 : i32
      %dma_wait3A_55 = arith.constant 0 : i32
      %dma_wait3A_56 = tpu.memref_slice %arg5[%dma_wait3A_55] : memref<6400xi32, #tpu.memory_space<vmem>> -> memref<400xi32, #tpu.memory_space<vmem>>
      %dma_wait3A_57 = arith.constant 0 : i32
      %dma_wait3A_58 = arith.constant 0 : i32
      %dma_wait3A_59 = tpu.memref_slice %arg2[%dma_wait3A_57, %dma_wait3A_58] : memref<200000x64xf32, #tpu.memory_space<hbm>> -> memref<200000x64xf32, #tpu.memory_space<hbm>>
      tpu.wait_indirect_dma semaphore(%arg11 : memref<!tpu.dma_semaphore, #tpu.memory_space<semaphore_mem>>) src(%dma_wait3A_59 : memref<200000x64xf32, #tpu.memory_space<hbm>>) dst(%arg7 : memref<400x64xf32, #tpu.memory_space<vmem>>)
      %mul3A_60 = arith.constant 400 : i32
      %mul3A_61 = arith.muli %add3A_54, %mul3A_60 : i32
      %multiple_of3A_62 = tpu.assume_multiple %mul3A_61, 400 : i32
      %add3A_63 = arith.addi %mul3A_2, %multiple_of3A_62 : i32
      %dma_start3A_64 = arith.constant 0 : i32
      %dma_start3A_65 = tpu.memref_slice %arg4[%add3A_63, %dma_start3A_64] : memref<204800x128xf32, #tpu.memory_space<hbm>> -> memref<400x64xf32, #tpu.memory_space<hbm>>
      %dma_start3A_66 = arith.constant 0 : i32
      %dma_start3A_67 = tpu.memref_slice %arg4[%add3A_63, %dma_start3A_66] : memref<204800x128xf32, #tpu.memory_space<hbm>> -> memref<400x64xf32, #tpu.memory_space<hbm>>
      tpu.enqueue_dma source(%arg7 : memref<400x64xf32, #tpu.memory_space<vmem>>) target(%dma_start3A_67 : memref<400x64xf32, #tpu.memory_space<hbm>>) target_semaphore(%arg15 : memref<!tpu.dma_semaphore, #tpu.memory_space<semaphore_mem>>)
      %add3A_68 = arith.constant 4 : i32
      %add3A_69 = arith.addi %add3A_54, %add3A_68 : i32
      %lt3A_70 = arith.constant 16 : i32
      %lt3A_71 = arith.cmpi slt, %add3A_69, %lt3A_70 : i32
      %convert_element_type3A_72 = arith.extui %lt3A_71 : i1 to i32
      %cond3A_73 = arith.constant 0 : i32
      %cond3A_74 = arith.cmpi ne, %convert_element_type3A_72, %cond3A_73 : i32
      scf.if %cond3A_74 {
        %dma_wait3A_123 = arith.constant 0 : i32
        %dma_wait3A_124 = arith.constant 0 : i32
        %dma_wait3A_125 = tpu.memref_slice %arg4[%dma_wait3A_123, %dma_wait3A_124] : memref<204800x128xf32, #tpu.memory_space<hbm>> -> memref<400x64xf32, #tpu.memory_space<hbm>>
        %dma_wait3A_126 = arith.constant 0 : i32
        %dma_wait3A_127 = arith.constant 0 : i32
        %dma_wait3A_128 = tpu.memref_slice %arg4[%dma_wait3A_126, %dma_wait3A_127] : memref<204800x128xf32, #tpu.memory_space<hbm>> -> memref<400x64xf32, #tpu.memory_space<hbm>>
        tpu.wait_dma2 semaphore(%arg15 : memref<!tpu.dma_semaphore, #tpu.memory_space<semaphore_mem>>) src(%arg7 : memref<400x64xf32, #tpu.memory_space<vmem>>) dst(%dma_wait3A_128 : memref<400x64xf32, #tpu.memory_space<hbm>>)
        %add3A_129 = arith.constant 4 : i32
        %add3A_130 = arith.addi %add3A_54, %add3A_129 : i32
        %mul3A_131 = arith.constant 400 : i32
        %mul3A_132 = arith.muli %add3A_130, %mul3A_131 : i32
        %multiple_of3A_133 = tpu.assume_multiple %mul3A_132, 400 : i32
        %dma_start3A_134 = tpu.memref_slice %arg5[%multiple_of3A_133] : memref<6400xi32, #tpu.memory_space<vmem>> -> memref<400xi32, #tpu.memory_space<vmem>>
        %dma_start3A_135 = arith.constant 0 : i32
        %dma_start3A_136 = arith.constant 0 : i32
        %dma_start3A_137 = tpu.memref_slice %arg2[%dma_start3A_135, %dma_start3A_136] : memref<200000x64xf32, #tpu.memory_space<hbm>> -> memref<200000x64xf32, #tpu.memory_space<hbm>>
        tpu.enqueue_indirect_dma source(%dma_start3A_137 : memref<200000x64xf32, #tpu.memory_space<hbm>>) target(%arg7 : memref<400x64xf32, #tpu.memory_space<vmem>>) offsets(%dma_start3A_134 : memref<400xi32, #tpu.memory_space<vmem>>) semaphore(%arg11 : memref<!tpu.dma_semaphore, #tpu.memory_space<semaphore_mem>>)
      } else {
      }
      %mul3A_75 = arith.constant 4 : i32
      %mul3A_76 = arith.muli %mul3A_75, %scan3A_30 : i32
      %add3A_77 = arith.constant 2 : i32
      %add3A_78 = arith.addi %mul3A_76, %add3A_77 : i32
      %dma_wait3A_79 = arith.constant 0 : i32
      %dma_wait3A_80 = tpu.memref_slice %arg5[%dma_wait3A_79] : memref<6400xi32, #tpu.memory_space<vmem>> -> memref<400xi32, #tpu.memory_space<vmem>>
      %dma_wait3A_81 = arith.constant 0 : i32
      %dma_wait3A_82 = arith.constant 0 : i32
      %dma_wait3A_83 = tpu.memref_slice %arg2[%dma_wait3A_81, %dma_wait3A_82] : memref<200000x64xf32, #tpu.memory_space<hbm>> -> memref<200000x64xf32, #tpu.memory_space<hbm>>
      tpu.wait_indirect_dma semaphore(%arg12 : memref<!tpu.dma_semaphore, #tpu.memory_space<semaphore_mem>>) src(%dma_wait3A_83 : memref<200000x64xf32, #tpu.memory_space<hbm>>) dst(%arg8 : memref<400x64xf32, #tpu.memory_space<vmem>>)
      %mul3A_84 = arith.constant 400 : i32
      %mul3A_85 = arith.muli %add3A_78, %mul3A_84 : i32
      %multiple_of3A_86 = tpu.assume_multiple %mul3A_85, 400 : i32
      %add3A_87 = arith.addi %mul3A_2, %multiple_of3A_86 : i32
      %dma_start3A_88 = arith.constant 0 : i32
      %dma_start3A_89 = tpu.memref_slice %arg4[%add3A_87, %dma_start3A_88] : memref<204800x128xf32, #tpu.memory_space<hbm>> -> memref<400x64xf32, #tpu.memory_space<hbm>>
      %dma_start3A_90 = arith.constant 0 : i32
      %dma_start3A_91 = tpu.memref_slice %arg4[%add3A_87, %dma_start3A_90] : memref<204800x128xf32, #tpu.memory_space<hbm>> -> memref<400x64xf32, #tpu.memory_space<hbm>>
      tpu.enqueue_dma source(%arg8 : memref<400x64xf32, #tpu.memory_space<vmem>>) target(%dma_start3A_91 : memref<400x64xf32, #tpu.memory_space<hbm>>) target_semaphore(%arg16 : memref<!tpu.dma_semaphore, #tpu.memory_space<semaphore_mem>>)
      %add3A_92 = arith.constant 4 : i32
      %add3A_93 = arith.addi %add3A_78, %add3A_92 : i32
      %lt3A_94 = arith.constant 16 : i32
      %lt3A_95 = arith.cmpi slt, %add3A_93, %lt3A_94 : i32
      %convert_element_type3A_96 = arith.extui %lt3A_95 : i1 to i32
      %cond3A_97 = arith.constant 0 : i32
      %cond3A_98 = arith.cmpi ne, %convert_element_type3A_96, %cond3A_97 : i32
      scf.if %cond3A_98 {
        %dma_wait3A_123 = arith.constant 0 : i32
        %dma_wait3A_124 = arith.constant 0 : i32
        %dma_wait3A_125 = tpu.memref_slice %arg4[%dma_wait3A_123, %dma_wait3A_124] : memref<204800x128xf32, #tpu.memory_space<hbm>> -> memref<400x64xf32, #tpu.memory_space<hbm>>
        %dma_wait3A_126 = arith.constant 0 : i32
        %dma_wait3A_127 = arith.constant 0 : i32
        %dma_wait3A_128 = tpu.memref_slice %arg4[%dma_wait3A_126, %dma_wait3A_127] : memref<204800x128xf32, #tpu.memory_space<hbm>> -> memref<400x64xf32, #tpu.memory_space<hbm>>
        tpu.wait_dma2 semaphore(%arg16 : memref<!tpu.dma_semaphore, #tpu.memory_space<semaphore_mem>>) src(%arg8 : memref<400x64xf32, #tpu.memory_space<vmem>>) dst(%dma_wait3A_128 : memref<400x64xf32, #tpu.memory_space<hbm>>)
        %add3A_129 = arith.constant 4 : i32
        %add3A_130 = arith.addi %add3A_78, %add3A_129 : i32
        %mul3A_131 = arith.constant 400 : i32
        %mul3A_132 = arith.muli %add3A_130, %mul3A_131 : i32
        %multiple_of3A_133 = tpu.assume_multiple %mul3A_132, 400 : i32
        %dma_start3A_134 = tpu.memref_slice %arg5[%multiple_of3A_133] : memref<6400xi32, #tpu.memory_space<vmem>> -> memref<400xi32, #tpu.memory_space<vmem>>
        %dma_start3A_135 = arith.constant 0 : i32
        %dma_start3A_136 = arith.constant 0 : i32
        %dma_start3A_137 = tpu.memref_slice %arg2[%dma_start3A_135, %dma_start3A_136] : memref<200000x64xf32, #tpu.memory_space<hbm>> -> memref<200000x64xf32, #tpu.memory_space<hbm>>
        tpu.enqueue_indirect_dma source(%dma_start3A_137 : memref<200000x64xf32, #tpu.memory_space<hbm>>) target(%arg8 : memref<400x64xf32, #tpu.memory_space<vmem>>) offsets(%dma_start3A_134 : memref<400xi32, #tpu.memory_space<vmem>>) semaphore(%arg12 : memref<!tpu.dma_semaphore, #tpu.memory_space<semaphore_mem>>)
      } else {
      }
      %mul3A_99 = arith.constant 4 : i32
      %mul3A_100 = arith.muli %mul3A_99, %scan3A_30 : i32
      %add3A_101 = arith.constant 3 : i32
      %add3A_102 = arith.addi %mul3A_100, %add3A_101 : i32
      %dma_wait3A_103 = arith.constant 0 : i32
      %dma_wait3A_104 = tpu.memref_slice %arg5[%dma_wait3A_103] : memref<6400xi32, #tpu.memory_space<vmem>> -> memref<400xi32, #tpu.memory_space<vmem>>
      %dma_wait3A_105 = arith.constant 0 : i32
      %dma_wait3A_106 = arith.constant 0 : i32
      %dma_wait3A_107 = tpu.memref_slice %arg2[%dma_wait3A_105, %dma_wait3A_106] : memref<200000x64xf32, #tpu.memory_space<hbm>> -> memref<200000x64xf32, #tpu.memory_space<hbm>>
      tpu.wait_indirect_dma semaphore(%arg13 : memref<!tpu.dma_semaphore, #tpu.memory_space<semaphore_mem>>) src(%dma_wait3A_107 : memref<200000x64xf32, #tpu.memory_space<hbm>>) dst(%arg9 : memref<400x64xf32, #tpu.memory_space<vmem>>)
      %mul3A_108 = arith.constant 400 : i32
      %mul3A_109 = arith.muli %add3A_102, %mul3A_108 : i32
      %multiple_of3A_110 = tpu.assume_multiple %mul3A_109, 400 : i32
      %add3A_111 = arith.addi %mul3A_2, %multiple_of3A_110 : i32
      %dma_start3A_112 = arith.constant 0 : i32
      %dma_start3A_113 = tpu.memref_slice %arg4[%add3A_111, %dma_start3A_112] : memref<204800x128xf32, #tpu.memory_space<hbm>> -> memref<400x64xf32, #tpu.memory_space<hbm>>
      %dma_start3A_114 = arith.constant 0 : i32
      %dma_start3A_115 = tpu.memref_slice %arg4[%add3A_111, %dma_start3A_114] : memref<204800x128xf32, #tpu.memory_space<hbm>> -> memref<400x64xf32, #tpu.memory_space<hbm>>
      tpu.enqueue_dma source(%arg9 : memref<400x64xf32, #tpu.memory_space<vmem>>) target(%dma_start3A_115 : memref<400x64xf32, #tpu.memory_space<hbm>>) target_semaphore(%arg17 : memref<!tpu.dma_semaphore, #tpu.memory_space<semaphore_mem>>)
      %add3A_116 = arith.constant 4 : i32
      %add3A_117 = arith.addi %add3A_102, %add3A_116 : i32
      %lt3A_118 = arith.constant 16 : i32
      %lt3A_119 = arith.cmpi slt, %add3A_117, %lt3A_118 : i32
      %convert_element_type3A_120 = arith.extui %lt3A_119 : i1 to i32
      %cond3A_121 = arith.constant 0 : i32
      %cond3A_122 = arith.cmpi ne, %convert_element_type3A_120, %cond3A_121 : i32
      scf.if %cond3A_122 {
        %dma_wait3A_123 = arith.constant 0 : i32
        %dma_wait3A_124 = arith.constant 0 : i32
        %dma_wait3A_125 = tpu.memref_slice %arg4[%dma_wait3A_123, %dma_wait3A_124] : memref<204800x128xf32, #tpu.memory_space<hbm>> -> memref<400x64xf32, #tpu.memory_space<hbm>>
        %dma_wait3A_126 = arith.constant 0 : i32
        %dma_wait3A_127 = arith.constant 0 : i32
        %dma_wait3A_128 = tpu.memref_slice %arg4[%dma_wait3A_126, %dma_wait3A_127] : memref<204800x128xf32, #tpu.memory_space<hbm>> -> memref<400x64xf32, #tpu.memory_space<hbm>>
        tpu.wait_dma2 semaphore(%arg17 : memref<!tpu.dma_semaphore, #tpu.memory_space<semaphore_mem>>) src(%arg9 : memref<400x64xf32, #tpu.memory_space<vmem>>) dst(%dma_wait3A_128 : memref<400x64xf32, #tpu.memory_space<hbm>>)
        %add3A_129 = arith.constant 4 : i32
        %add3A_130 = arith.addi %add3A_102, %add3A_129 : i32
        %mul3A_131 = arith.constant 400 : i32
        %mul3A_132 = arith.muli %add3A_130, %mul3A_131 : i32
        %multiple_of3A_133 = tpu.assume_multiple %mul3A_132, 400 : i32
        %dma_start3A_134 = tpu.memref_slice %arg5[%multiple_of3A_133] : memref<6400xi32, #tpu.memory_space<vmem>> -> memref<400xi32, #tpu.memory_space<vmem>>
        %dma_start3A_135 = arith.constant 0 : i32
        %dma_start3A_136 = arith.constant 0 : i32
        %dma_start3A_137 = tpu.memref_slice %arg2[%dma_start3A_135, %dma_start3A_136] : memref<200000x64xf32, #tpu.memory_space<hbm>> -> memref<200000x64xf32, #tpu.memory_space<hbm>>
        tpu.enqueue_indirect_dma source(%dma_start3A_137 : memref<200000x64xf32, #tpu.memory_space<hbm>>) target(%arg9 : memref<400x64xf32, #tpu.memory_space<vmem>>) offsets(%dma_start3A_134 : memref<400xi32, #tpu.memory_space<vmem>>) semaphore(%arg13 : memref<!tpu.dma_semaphore, #tpu.memory_space<semaphore_mem>>)
      } else {
      }
    }
    %scan3A_29 = arith.constant 4 : i32
    return
  }
}

</mosaic_0001>

<sc_bundles>
// kernel: kernel.3.cloned.1.call-start
scs
__scs_entry_jumppad:
0x0: {  	(pc) =	sbr.rel $0x88, $3  }
0x1: {  	(tag) =	ssettag $0x0;
	lr =	simm.s32 $0x1  }
0x2: {  	[smem:$0x3F9F] =	sst lr;
	_ =	strace $0xD0000000  }
0x3: {  	_ = 	snop  }
0x4: {  	_ = 	snop  }
0x5: {  	_ = 	snop  }
0x6: {  	_ = 	snop  }
0x7: {  	_ = 	snop  }
__scs_overlays_trampoline_lowered:
0x8: {  	[smem:$0x3FAE] =	sst s0  }
0x9: {  	[smem:$0x3FAF] =	sst s1  }
0xa: {  	[smem:$0x3FB0] =	sst s2  }
0xb: {  	[smem:$0x3FB1] =	sst s3  }
0xc: {  	[smem:$0x3FB2] =	sst s4  }
0xd: {  	[smem:$0x3FB3] =	sst s5  }
0xe: {  	[smem:$0x3FB4] =	sst s6  }
0xf: {  	[smem:$0x3FB5] =	sst s7  }
0x10: {  	[smem:$0x3FB6] =	sst s8  }
0x11: {  	[smem:$0x3FB7] =	sst s9;
	s0 =	simm.s32 @!p0 $0x0  }
0x12: {  	s1 =	sld [smem:$0x3F9D];
	s0 =	simm.s32 @p0 $0x1  }
0x13: {  	[smem:$0x3FB8] =	sst s0;
	s0 =	simm.s32 @!p1 $0x0  }
0x14: {  	s2 =	sld [smem:$0x3F9C];
	s0 =	simm.s32 @p1 $0x1  }
0x15: {  	[smem:$0x3FB9] =	sst s0;
	s0 =	simm.s32 @!p2 $0x0  }
0x16: {  	s3 =	sld [smem:$0x3FDB];
	s0 =	simm.s32 @p2 $0x1  }
0x17: {  	s4 =	simm.s32 $0x1BF5;
	[smem:$0x3FBB] =	sst s0  }
0x18: {  	s0 =	sld [smem:$0x3F9E];
	_ =	swait.ge [sflag:s4], $0x0  }
0x19: {  	s7 =	sld [smem:$0x3F9F]  }
0x1a: {  	s8 =	sadd.s32 $0xFFFFE003, lr  }
0x1b: {  	s9 =	sadd.s32 $0xFFFFFEF7, lr;
	s5 =	simm.s32 $0xFFFFFFFF;
	p2 =	slt.u32 s8, $0xFFFFF086  }
0x1c: {  	p1 =	slt.u32 s9, $0xF7A;
	s5 =	simm.s32 @!p2 $0x0  }
0x1d: {  	s5 =	simm.s32 @p1 $0x1;
	p0 =	seq.s32 s7, s2  }
0x1e: {  	s7 =	smul.u32 @!p0 $0xF7A, s2;
	p2 =	seq.s32 @!p0 s5, $0x0  }
0x1f: {  	s9 =	smul.u32 $0xF7A, s1;
	s8 =	simm.s32 @!p0 $0x1BF5;
	p2 =	por !p2, p0  }
0x20: {  	[sflag:s8] =	ssyncset.s32 @!p0 $0xFFFFF086;
	s6 =	sadd.s32 @!p0 s3, s7;
	s7 =	simm.s32 @!p0 $0x108  }
0x21: {  	s3 =	sadd.s32 s3, s9;
	s6 =	sadd.s32 @!p0 $0x88, s6;
	s7 =	simm.s32 @p2 $0x1082  }
0x22: {  	[simem:s7], [sflag:s8] =	dma.local @!p0 [hbm:s6], $0xF7A  }
0x23: {  	s9 =	sor.u32 $0xD0000000, s2;
	s6 =	simm.s32 $0x108;
	_ =	swait.ge @!p0 [sflag:s8], $0x0  }
0x24: {  	s3 =	sadd.s32 $0x88, s3;
	s6 =	simm.s32 @!p1 $0x1082;
	[sflag:s4] =	ssyncset.s32 $0xFFFFF086  }
0x25: {  	[simem:s6], [sflag:s4] =	dma.local [hbm:s3], $0xF7A  }
0x26: {  	[smem:$0x3F9F] =	sst s1;
	(tag) =	ssettag s2;
	_ =	strace s9  }
0x27: {  	s1 =	sld [smem:$0x3FAF]  }
0x28: {  	s2 =	sld [smem:$0x3FB0]  }
0x29: {  	s4 =	sld [smem:$0x3FB2]  }
0x2a: {  	p0 =	seq.s32 s5, $0x0;
	s5 =	sld [smem:$0x3FB3]  }
0x2b: {  	s6 =	sld [smem:$0x3FB4]  }
0x2c: {  	s7 =	sld [smem:$0x3FB5]  }
0x2d: {  	s3 =	simm.s32 $0x108;
	s8 =	sld [smem:$0x3FB6]  }
0x2e: {  	s3 =	simm.s32 @!p0 $0x1082;
	s9 =	sld [smem:$0x3FB7]  }
0x2f: {  	lr =	sadd.s32 s0, s3;
	s0 =	sld [smem:$0x3FAE]  }
0x30: {  	s3 =	sld [smem:$0x3FB1]  }
0x31: {  	[smem:$0x3FBA] =	sst s10  }
0x32: {  	s10 =	sld [smem:$0x3FB8];
	_ =	sdelay $0x3  }
0x33: {  	p0 =	seq.s32 s10, $0x1;
	s10 =	sld [smem:$0x3FBA];
	_ =	sdelay $0x3  }
0x34: {  	[smem:$0x3FBA] =	sst s10  }
0x35: {  	s10 =	sld [smem:$0x3FB9];
	_ =	sdelay $0x3  }
0x36: {  	p1 =	seq.s32 s10, $0x1;
	s10 =	sld [smem:$0x3FBA];
	_ =	sdelay $0x3  }
0x37: {  	[smem:$0x3FBA] =	sst s10  }
0x38: {  	s10 =	sld [smem:$0x3FBB]  }
0x39: {  	_ = 	snop;
	(pc) =	sbr.ind lr, $3  }
0x3a: {  	_ = 	snop  }
0x3b: {  	_ = 	snop  }
0x3c: {  	p2 =	seq.s32 s10, $0x1;
	s10 =	sld [smem:$0x3FBA]  }
0x3d: {  	_ =	shalt  }
0x3e: {  	_ =	shalt  }
0x3f: {  	_ =	shalt  }
0x40: {  	_ =	shalt  }
0x41: {  	_ =	shalt  }
0x42: {  	_ =	shalt  }
0x43: {  	_ =	shalt  }
0x44: {  	_ =	shalt  }
0x45: {  	_ =	shalt  }
0x46: {  	_ =	shalt  }
0x47: {  	_ =	shalt  }
0x48: {  	_ =	shalt  }
0x49: {  	_ =	shalt  }
0x4a: {  	_ =	shalt  }
0x4b: {  	_ =	shalt  }
0x4c: {  	_ =	shalt  }
0x4d: {  	_ =	shalt  }
0x4e: {  	_ =	shalt  }
0x4f: {  	_ =	shalt  }
0x50: {  	_ =	shalt  }
0x51: {  	_ =	shalt  }
0x52: {  	_ =	shalt  }
0x53: {  	_ =	shalt  }
0x54: {  	_ =	shalt  }
0x55: {  	_ =	shalt  }
0x56: {  	_ =	shalt  }
0x57: {  	_ =	shalt  }
0x58: {  	_ =	shalt  }
0x59: {  	_ =	shalt  }
0x5a: {  	_ =	shalt  }
0x5b: {  	_ =	shalt  }
0x5c: {  	_ =	shalt  }
0x5d: {  	_ =	shalt  }
0x5e: {  	_ =	shalt  }
0x5f: {  	_ =	shalt  }
0x60: {  	_ =	shalt  }
0x61: {  	_ =	shalt  }
0x62: {  	_ =	shalt  }
0x63: {  	_ =	shalt  }
0x64: {  	_ =	shalt  }
0x65: {  	_ =	shalt  }
0x66: {  	_ =	shalt  }
0x67: {  	_ =	shalt  }
0x68: {  	_ =	shalt  }
0x69: {  	_ =	shalt  }
0x6a: {  	_ =	shalt  }
0x6b: {  	_ =	shalt  }
0x6c: {  	_ =	shalt  }
0x6d: {  	_ =	shalt  }
0x6e: {  	_ =	shalt  }
0x6f: {  	_ =	shalt  }
0x70: {  	_ =	shalt  }
0x71: {  	_ =	shalt  }
0x72: {  	_ =	shalt  }
0x73: {  	_ =	shalt  }
0x74: {  	_ =	shalt  }
0x75: {  	_ =	shalt  }
0x76: {  	_ =	shalt  }
0x77: {  	_ =	shalt  }
0x78: {  	_ =	shalt  }
0x79: {  	_ =	shalt  }
0x7a: {  	_ =	shalt  }
0x7b: {  	_ =	shalt  }
0x7c: {  	_ =	shalt  }
0x7d: {  	_ =	shalt  }
0x7e: {  	_ =	shalt  }
0x7f: {  	_ =	shalt  }
0x80: {  	_ =	shalt  }
0x81: {  	_ =	shalt  }
0x82: {  	_ =	shalt  }
0x83: {  	_ =	shalt  }
0x84: {  	_ =	shalt  }
0x85: {  	_ =	shalt  }
0x86: {  	_ =	shalt  }
0x87: {  	_ =	shalt  }
.Lfunc_end0:
.L_simem_size_0:
called_computation.1_lowered:
.L_overlay_start_0:
0x88: {  	s2 =	sld [smem:$0x3FD9]  }
0x89: {  	s3 =	sld [smem:$0x3FFE];
	_ =	sdelay $0x1  }
0x8a: {  	s1 =	srdreg.scid  }
0x8b: {  	s0 =	sand.u32 $0x1, s1  }
0x8c: {  	s16 =	sshll.u32 s0, $0xA;
	s2 =	sadd.s32 s3, s2  }
0x8d: {  	s2 =	sadd.s32 s2, s16  }
0x8e: {  	[smem:$0x3FC6] =	sst s2  }
0x8f: {  	_ = 	snop  }
0x90: {  	(tm) =	ssettm $0x1  }
0x91: {  	s17 =	sld [smem:$0x3FFB];
	_ =	sdelay $0x3  }
0x92: {  	_ =	strace s17  }
0x93: {  	s2 =	sld [smem:$0x3FFC];
	_ =	sdelay $0x3  }
0x94: {  	_ =	strace s2  }
0x95: {  	s2 =	sld [smem:$0x3FFD];
	_ =	sdelay $0x3  }
0x96: {  	_ =	strace s2  }
0x97: {  	_ =	strace $0x8FFFFFFF  }
0x98: {  	s18 =	sld [smem:$0x3FDB];
	_ =	sdelay $0x1  }
0x99: {  	s19 =	simm.s32 $_scs_section_size  }
0x9a: {  	s4 =	simm.s32 $_size__tile_overlayer_lowered;
	s5 =	simm.s32 $_tile_overlayer_lowered  }
0x9b: {  	s22 =	simm.s32 $0x1BFF;
	s21 =	sshll.u32 s5, $0x1;
	s2 =	sadd.s32 s19, s18  }
0x9c: {  	s6 =	simm.s32 $0x0;
	s20 =	sshll.u32 s4, $0x1;
	s4 =	sadd.s32 s21, s2  }
0x9d: {  	[timem:s6], [sflag:s22] =	dma.local [hbm:s4], s20  }
0x9e: {  	_ =	swait.ge [sflag:s22], s20  }
0x9f: {  	s3 =	ssub.s32 $0x0, s20;
	[sflag:s22] =	ssyncset.done $0x0  }
0xa0: {  	[sflag:s22] =	ssyncadd.s32 s3;
	_ =	sdelay $0x1  }
0xa1: {  	s23 =	simm.s32 $0x1B8B  }
0xa2: {  	_ =	swait.ge [sflag:s23], $0x1  }
0xa3: {  	[sflag:s23] =	ssyncset.done $0x0  }
0xa4: {  	s25 =	simm.s32 $0x1B8E;
	s24 =	sld [smem:$0x3FFE];
	[sflag:s23] =	ssyncadd.s32 $0xFFFFFFFF  }
0xa5: {  	s26 =	simm.s32 $execute0_lowered;
	[smem:$0x3FD2] =	sst s25  }
0xa6: {  	s4 =	sshll.u32 s26, $0x1;
	_ =	strace $0x80000046;
	[dreg:$0x1] =	wrdreg $0xFFFFFFFF  }
0xa7: {  	s28 =	simm.s32 $_size_execute0_lowered;
	s2 =	sadd.s32 s2, s4;
	[dreg:$0x0] =	wrdreg $0x0  }
0xa8: {  	s4 =	sshll.u32 s28, $0x1;
	[dreg:$0x2] =	wrdreg s2  }
0xa9: {  	[dreg:$0x3] =	wrdreg s4  }
0xaa: {  	[dreg:$0x4] =	wrdreg $0xC0  }
0xab: {  	_ =	task [dreg:s6], $0x5FFFF  }
0xac: {  	[dreg:$0x1] =	wrdreg $0xFFFFFFFF  }
0xad: {  	[dreg:$0x0] =	wrdreg $0x60  }
0xae: {  	[dreg:$0x2] =	wrdreg s24  }
0xaf: {  	[dreg:$0x3] =	wrdreg $0x9  }
0xb0: {  	_ =	task.clear_ibuf [dreg:s6], $0x4FFFF;
	_ =	strace $0x90000046  }
0xb1: {  	s29 =	simm.s32 $0x9;
	_ =	strace $0x80000048  }
0xb2: {  	_ =	swait.ge [sflag:s29], $0x1  }
0xb3: {  	[sflag:s29] =	ssyncadd.s32 $0xFFFFFFFF  }
0xb4: {  	_ =	strace $0x90000048  }
0xb5: {  	_ =	sfence  }
0xb6: {  	s30 =	sld [smem:$0x0];
	_ =	sdelay $0x2  }
0xb7: {  	s31 =	sshll.u32 s1, $0xD;
	s1 =	sshrl.u32 s1, $0x2  }
0xb8: {  	s3 =	sand.u32 $0x4000, s31;
	s1 =	sadd.s32 s1, s30  }
0xb9: {  	s0 =	sor.u32 s3, s0;
	s1 =	sshll.u32 s1, $0x11  }
0xba: {  	s0 =	sor.u32 s1, s0  }
0xbb: {  	s0 =	sadd.s32 $0x8F2B, s0  }
0xbc: {  	[sflag:s0] =	ssyncadd.remote.s32 $0x1  }
0xbd: {  	_ =	sfence.sel $0xFFFF  }
0xbe: {  	[dreg:$0x0] =	wrdreg $0xFFFFFFFF;
	(pc) =	sbr.abs _section_cstart, $3  }
0xbf: {  	[dreg:$0x1] =	wrdreg $0xFFFFFFFF  }
0xc0: {  	_ =	task.clear_ibuf [dreg:s6], $0x2FFFF;
	_ =	strace $0x9FFFFFFF  }
0xc1: {  	(tm) =	ssettm $0x7FFFFFFF  }
tec
execute0_lowered:
.L_overlay_start_1:
0x0: {  	(tag) =	ssettag $0x1  }
0x1: {  	s1 =	srdreg.scid  }
0x2: {  	s0 =	stileid.u32;
	s4 =	rddreg [dreg:$0x0];
	s2 =	simm.s32 $0x0  }
0x3: {  	s12 =	simm.s32 $0x1900;
	s13 =	simm.s32 $0x7D00;
	s14 =	simm.s32 $0x320  }
0x4: {  	s15 =	simm.s32 $0xE100;
	s16 =	simm.s32 $0x4B0;
	s17 =	simm.s32 $0x14500  }
0x5: {  	s18 =	simm.s32 $0x1;
	s19 =	simm.s32 $0x40;
	s20 =	simm.s32 $0x80  }
0x6: {  	s21 =	simm.s32 $0x2;
	s22 =	simm.s32 $0x3;
	s23 =	simm.s32 $0x4  }
0x7: {  	s24 =	simm.s32 $0x8;
	s25 =	simm.s32 $0x0;
	s6 =	sand.u32 $0x1, s1  }
0x8: {  	s3 =	sshll.u32 s0, $0x1;
	s1 =	rddreg [dreg:$0x1];
	s5 =	smul.u32 $0x3200, s0  }
0x9: {  	[smem:$0x7FF] =	sst s2;
	s11 =	sadd.s32 $0x18D600, s4;
	s29 =	smul.u32 $0x32000, s0  }
0xa: {  	s3 =	sor.u32 s6, s3;
	s8 =	ssub.s32 $0x2, s6;
	s9 =	smul.u32 $0x1900, s6  }
0xb: {  	_ =	strace $0x80000047;
	s31 =	smul.u32 $0x19000, s6;
	s10 =	sshrl.u32 s8, $0x1  }
0xc: {  	s3 =	smul.u32 $0x1900, s3;
	s8 =	ssub.s32 s8, s10;
	s5 =	sadd.s32 s9, s5  }
.Ltmp0:
0xd: {  	s9 =	sadd.s32 s29, s11;
	s10 =	simm.s32 $0x9;
	(pc) =	sbr.rel .LBB2_1-.Ltmp0, $4  }
0xe: {  	s7 =	sshrl.u32 s3, $0x3;
	s3 =	sadd.s32 $0x6C00, s4;
	s28 =	sshll.u32 s5, $0x4  }
0xf: {  	s5 =	smax.u32 s8, $0x1;
	s9 =	sadd.s32 s31, s9;
	s7 =	sadd.s32 s7, s4  }
0x10: {  	s30 =	sadd.s32 s11, s28;
	s11 =	simm.s32 $0x190;
	s4 =	sadd.s32 $0x800, s7  }
0x11: {  	s6 =	sadd.s32 $0x4B00, s30;
	s7 =	sadd.s32 $0x3200, s30;
	s8 =	sadd.s32 $0x1900, s30  }
.LBB2_4:
0x12: {  	s25 =	sadd.s32 $0x1, s25  }
0x13: {  	p0 =	sne.s32 s25, s5  }
.Ltmp1:
0x14: {  	_ = 	snop;
	(pc) =	sbr.rel @!p0 .LBB2_5-.Ltmp1, $1  }
0x15: {  	_ =	sdelay $0x3  }
.LBB2_1:
0x16: {  	[tilespmem:s2], [sflag:$0x9] =	stream.linear.gather [hbm4b:s4+s2], $0x1900, $0x38;
	[tilespmem:$0x1A900] =	vst v63  }
0x17: {  	_ =	swait.ge [sflag:s10], $0x1900  }
0x18: {  	[sflag:s10] =	ssyncset.done $0x0  }
0x19: {  	[sflag:s10] =	ssyncadd.s32 $0xFFFFE700  }
0x1a: {  	[tilespmem:s12], [sflag:$0x1] =	stream.indirect.gather [hbm4b:s3+s11], $0x40, s2, s11, $0xb8;
	[tilespmem:$0x1A900] =	vst v63  }
0x1b: {  	_ = 	snop  }
0x1c: {  	[tilespmem:s13], [sflag:$0x2] =	stream.indirect.gather [hbm4b:s3+s11], $0x40, s11, s11, $0xb8;
	[tilespmem:$0x1A900] =	vst v63  }
0x1d: {  	_ = 	snop  }
0x1e: {  	[tilespmem:s15], [sflag:$0x3] =	stream.indirect.gather [hbm4b:s3+s11], $0x40, s14, s11, $0xb8;
	[tilespmem:$0x1A900] =	vst v63  }
0x1f: {  	s26 =	simm.s32 $0xAF0;
	s28 =	simm.s32 $0x0  }
0x20: {  	[tilespmem:s17], [sflag:$0x4] =	stream.indirect.gather [hbm4b:s3+s11], $0x40, s16, s11, $0xb8;
	[tilespmem:$0x1A900] =	vst v63  }
.LBB2_2:
0x21: {  	_ =	swait.ge [sflag:s18], $0x6400  }
0x22: {  	[sflag:s18] =	ssyncset.done $0x0  }
0x23: {  	s29 =	sadd.s32 s28, s9;
	p0 =	seq.s32 s28, $0x12C00;
	[sflag:s18] =	ssyncadd.s32 $0xFFFF9C00  }
0x24: {  	[hbm4b:s29+s19] =	stream.strided.scatter [tilespmem:s12], [sflag:$0x5], $0x6400, s20, s19, $0x38;
	[tilespmem:$0x1A900] =	vst v63  }
0x25: {  	s29 =	simm.s32 @!p0 $0x5  }
0x26: {  	_ =	swait.ge @!p0 [sflag:s29], $0x6400  }
0x27: {  	s30 =	simm.s32 @!p0 $0x190;
	[sflag:s29] =	ssyncset.done @!p0 $0x0  }
0x28: {  	s31 =	simm.s32 @!p0 $0x1900;
	[sflag:s29] =	ssyncadd.s32 @!p0 $0xFFFF9C00;
	s29 =	sadd.s32 @!p0 $0xFFFFFB50, s26  }
0x29: {  	[tilespmem:s31], [sflag:$0x1] =	stream.indirect.gather @!p0 [hbm4b:s3+s30], $0x40, s29, s30, $0xb8;
	[tilespmem:$0x1A900] =	vst v63  }
0x2a: {  	_ =	swait.ge [sflag:s21], $0x6400  }
0x2b: {  	[sflag:s21] =	ssyncset.done $0x0  }
0x2c: {  	s31 =	sadd.s32 s28, s8;
	s29 =	simm.s32 @!p0 $0x6;
	[sflag:s21] =	ssyncadd.s32 $0xFFFF9C00  }
0x2d: {  	[hbm4b:s31+s19] =	stream.strided.scatter [tilespmem:s13], [sflag:$0x6], $0x6400, s20, s19, $0x38;
	[tilespmem:$0x1A900] =	vst v63  }
0x2e: {  	_ =	swait.ge @!p0 [sflag:s29], $0x6400  }
0x2f: {  	[sflag:s29] =	ssyncset.done @!p0 $0x0  }
0x30: {  	s31 =	simm.s32 @!p0 $0x7D00;
	[sflag:s29] =	ssyncadd.s32 @!p0 $0xFFFF9C00;
	s29 =	sadd.s32 @!p0 $0xFFFFFCE0, s26  }
0x31: {  	[tilespmem:s31], [sflag:$0x2] =	stream.indirect.gather @!p0 [hbm4b:s3+s30], $0x40, s29, s30, $0xb8;
	[tilespmem:$0x1A900] =	vst v63  }
0x32: {  	_ =	swait.ge [sflag:s22], $0x6400  }
0x33: {  	[sflag:s22] =	ssyncset.done $0x0  }
0x34: {  	s31 =	sadd.s32 s28, s7;
	s29 =	simm.s32 @!p0 $0x7;
	[sflag:s22] =	ssyncadd.s32 $0xFFFF9C00  }
0x35: {  	[hbm4b:s31+s19] =	stream.strided.scatter [tilespmem:s15], [sflag:$0x7], $0x6400, s20, s19, $0x38;
	[tilespmem:$0x1A900] =	vst v63  }
0x36: {  	_ =	swait.ge @!p0 [sflag:s29], $0x6400  }
0x37: {  	[sflag:s29] =	ssyncset.done @!p0 $0x0  }
0x38: {  	s31 =	simm.s32 @!p0 $0xE100;
	[sflag:s29] =	ssyncadd.s32 @!p0 $0xFFFF9C00;
	s29 =	sadd.s32 @!p0 $0xFFFFFE70, s26  }
0x39: {  	[tilespmem:s31], [sflag:$0x3] =	stream.indirect.gather @!p0 [hbm4b:s3+s30], $0x40, s29, s30, $0xb8;
	[tilespmem:$0x1A900] =	vst v63  }
.Ltmp2:
0x3a: {  	_ = 	snop;
	(pc) =	sbr.rel @p0 .LBB2_4-.Ltmp2, $4  }
0x3b: {  	_ =	swait.ge [sflag:s23], $0x6400  }
0x3c: {  	[sflag:s23] =	ssyncset.done $0x0  }
0x3d: {  	s31 =	sadd.s32 s28, s6;
	[sflag:s23] =	ssyncadd.s32 $0xFFFF9C00  }
0x3e: {  	[hbm4b:s31+s19] =	stream.strided.scatter [tilespmem:s17], [sflag:$0x8], $0x6400, s20, s19, $0x38;
	[tilespmem:$0x1A900] =	vst v63  }
.Ltmp3:
0x3f: {  	_ =	swait.ge [sflag:s24], $0x6400;
	(pc) =	sbr.rel .LBB2_2-.Ltmp3, $4  }
0x40: {  	[sflag:s24] =	ssyncset.done $0x0  }
0x41: {  	[sflag:s24] =	ssyncadd.s32 $0xFFFF9C00  }
0x42: {  	[tilespmem:s17], [sflag:$0x4] =	stream.indirect.gather [hbm4b:s3+s11], $0x40, s26, s11, $0xb8;
	[tilespmem:$0x1A900] =	vst v63  }
0x43: {  	s28 =	sadd.s32 $0x6400, s28;
	s26 =	sadd.s32 $0x640, s26  }
.LBB2_5:
0x44: {  	_ =	sfence.sel $0x180000  }
0x45: {  	[bflag:$0x0] =	sbarrier.arrive $0xFFFF  }
0x46: {  	p0 =	sne.s32 s0, $0x0;
	_ =	strace $0x90000047  }
0x47: {  	s0 =	sadd.s32 @!p0 $0x100000, s1;
	[bflag:$0x2] =	sbarrier.arrive $0xFFFF  }
0x48: {  	[sflag:s0] =	ssyncadd.tile.s32 @!p0 $0x1;
	_ =	shalt  }
.Lfunc_end2:
_tile_overlayer_lowered:
.L_overlay_start_2:
0x49: {  	(tag) =	ssettag $0x2  }
0x4a: {  	s0 =	rddreg [dreg:$0x0];
	s2 =	stileid.u32  }
0x4b: {  	s1 =	rddreg [dreg:$0x1];
	p0 =	sne.s32 s2, $0x0  }
0x4c: {  	s3 =	rddreg [dreg:$0x2];
	[bflag:$0x3] =	sbarrier.arrive $0xFFFF;
	s2 =	simm.s32 @!p0 $0x1C09  }
0x4d: {  	[timem:s3], [sflag:s2] =	dma.local @!p0 [hbm:s0], s1  }
0x4e: {  	s0 =	simm.s32 @!p0 $0x9  }
0x4f: {  	_ =	swait.ge @!p0 [sflag:s0], s1  }
0x50: {  	s1 =	ssub.s32 @!p0 $0x0, s1;
	[sflag:s0] =	ssyncset.done @!p0 $0x0  }
0x51: {  	[sflag:s0] =	ssyncadd.s32 @!p0 s1  }
0x52: {  	[bflag:$0x3] =	sbarrier.arrive $0xFFFF  }
0x53: {  	_ =	shalt  }

// kernel: sparse-core-data-format-call.cloned.1.call-start
scs
called_computation_lowered:
.L_overlay_start_0:
0x0: {  	s2 =	sld [smem:$0x3FD9]  }
0x1: {  	s3 =	sld [smem:$0x3FFE];
	_ =	sdelay $0x1  }
0x2: {  	s1 =	srdreg.scid  }
0x3: {  	s0 =	sand.u32 $0x1, s1  }
0x4: {  	s18 =	sshll.u32 s0, $0xA;
	s2 =	sadd.s32 s3, s2  }
0x5: {  	s2 =	sadd.s32 s2, s18  }
0x6: {  	[smem:$0x3FC6] =	sst s2  }
0x7: {  	_ = 	snop  }
0x8: {  	s2 =	sld [smem:$0x3FD0];
	(tm) =	ssettm $0x1  }
0x9: {  	s19 =	sld [smem:$0x3FFB];
	_ =	sdelay $0x3  }
0xa: {  	_ =	strace s19  }
0xb: {  	s3 =	sld [smem:$0x3FFC];
	_ =	sdelay $0x3  }
0xc: {  	_ =	strace s3  }
0xd: {  	s3 =	sld [smem:$0x3FFD];
	_ =	sdelay $0x3  }
0xe: {  	_ =	strace s3  }
0xf: {  	_ =	strace $0x8FFFFFFF  }
0x10: {  	s20 =	sld [smem:$0x3FDB];
	_ =	sdelay $0x1  }
0x11: {  	s4 =	simm.s32 $_scs_section_size  }
0x12: {  	s5 =	simm.s32 $_size__tile_overlayer_lowered;
	s6 =	simm.s32 $_tile_overlayer_lowered  }
0x13: {  	s23 =	simm.s32 $0x1BFF;
	s22 =	sshll.u32 s6, $0x1;
	s3 =	sadd.s32 s4, s20  }
0x14: {  	s7 =	simm.s32 $0x0;
	s21 =	sshll.u32 s5, $0x1;
	s5 =	sadd.s32 s22, s3  }
0x15: {  	[timem:s7], [sflag:s23] =	dma.local [hbm:s5], s21  }
0x16: {  	_ =	swait.ge [sflag:s23], s21  }
0x17: {  	s4 =	ssub.s32 $0x0, s21;
	[sflag:s23] =	ssyncset.done $0x0  }
0x18: {  	[sflag:s23] =	ssyncadd.s32 s4;
	_ =	sdelay $0x1  }
0x19: {  	s24 =	simm.s32 $0x1B8B  }
0x1a: {  	_ =	swait.ge [sflag:s24], $0x1  }
0x1b: {  	[sflag:s24] =	ssyncset.done $0x0  }
0x1c: {  	s26 =	simm.s32 $0x1B8E;
	s25 =	sld [smem:$0x3FFE];
	[sflag:s24] =	ssyncadd.s32 $0xFFFFFFFF  }
0x1d: {  	s27 =	simm.s32 $execute0_lowered;
	[smem:$0x3FD2] =	sst s26  }
0x1e: {  	s5 =	sshll.u32 s27, $0x1;
	_ =	strace $0x80000049;
	[dreg:$0x1] =	wrdreg $0xFFFFFFFF  }
0x1f: {  	s28 =	simm.s32 $_size_execute0_lowered;
	s3 =	sadd.s32 s3, s5;
	[dreg:$0x0] =	wrdreg $0x0  }
0x20: {  	s5 =	sshll.u32 s28, $0x1;
	[dreg:$0x2] =	wrdreg s3  }
0x21: {  	[dreg:$0x3] =	wrdreg s5  }
0x22: {  	[dreg:$0x4] =	wrdreg $0xC0  }
0x23: {  	_ =	task [dreg:s7], $0x5FFFF  }
0x24: {  	[dreg:$0x1] =	wrdreg $0xFFFFFFFF  }
0x25: {  	[dreg:$0x0] =	wrdreg $0x60  }
0x26: {  	[dreg:$0x2] =	wrdreg s25  }
0x27: {  	[dreg:$0x3] =	wrdreg s2  }
0x28: {  	[dreg:$0x4] =	wrdreg $0x9  }
0x29: {  	_ =	task.clear_ibuf [dreg:s7], $0x5FFFF;
	_ =	strace $0x90000049  }
0x2a: {  	s29 =	simm.s32 $0x9;
	_ =	strace $0x8000004B  }
0x2b: {  	_ =	swait.ge [sflag:s29], $0x1  }
0x2c: {  	[sflag:s29] =	ssyncadd.s32 $0xFFFFFFFF  }
0x2d: {  	_ =	strace $0x9000004B  }
0x2e: {  	_ =	sfence  }
0x2f: {  	s30 =	sld [smem:$0x0];
	_ =	sdelay $0x2  }
0x30: {  	s31 =	sshll.u32 s1, $0xD;
	s1 =	sshrl.u32 s1, $0x2  }
0x31: {  	s3 =	sand.u32 $0x4000, s31;
	s1 =	sadd.s32 s1, s30  }
0x32: {  	s0 =	sor.u32 s3, s0;
	s1 =	sshll.u32 s1, $0x11  }
0x33: {  	s0 =	sor.u32 s1, s0  }
0x34: {  	s0 =	sadd.s32 $0x8F2B, s0  }
0x35: {  	[sflag:s0] =	ssyncadd.remote.s32 $0x1  }
0x36: {  	_ =	sfence.sel $0xFFFF  }
0x37: {  	[dreg:$0x0] =	wrdreg $0xFFFFFFFF;
	(pc) =	sbr.abs _section_cstart, $3  }
0x38: {  	[dreg:$0x1] =	wrdreg $0xFFFFFFFF  }
0x39: {  	_ =	task.clear_ibuf [dreg:s7], $0x2FFFF;
	_ =	strace $0x9FFFFFFF  }
0x3a: {  	(tm) =	ssettm $0x7FFFFFFF  }
0x3b: {  	_ =	shalt  }
tec
execute0_lowered:
.L_overlay_start_1:
0x0: {  	(tag) =	ssettag $0x1  }
0x1: {  	s0 =	srdreg.scid  }
0x2: {  	s1 =	sshll.u32 s0, $0x4  }
0x3: {  	s5 =	rddreg [dreg:$0x0];
	s0 =	stileid.u32;
	s1 =	sand.u32 $0x10, s1  }
0x4: {  	s3 =	rddreg [dreg:$0x1];
	s31 =	simm.s32 $0x2;
	s4 =	sor.u32 s0, s1  }
0x5: {  	s13 =	simm.s32 $0x0;
	s9 =	simm.s32 $0x400;
	s2 =	sshll.u32 s4, $0x7  }
0x6: {  	s10 =	simm.s32 $0x8000;
	s14 =	simm.s32 $0x0;
	s6 =	ssub.s32 $0x1000, s2  }
0x7: {  	s1 =	rddreg [dreg:$0x2];
	_ =	strace $0x8000004A;
	s7 =	sand.u32 $0xF80, s6  }
0x8: {  	s4 =	sshll.u32 s4, $0xB;
	p0 =	sne.s32 s7, $0x0;
	s7 =	simm.s32 $0x1  }
.Ltmp0:
0x9: {  	s6 =	sshrl.u32 s6, $0xC;
	s7 =	simm.s32 @!p0 $0x0;
	(pc) =	sbr.rel .LBB1_1-.Ltmp0, $4  }
0xa: {  	s8 =	sadd.s32 s4, s5;
	s4 =	simm.s32 $0x1;
	s30 =	sadd.s32 s7, s6  }
0xb: {  	s11 =	simm.s32 $0x0;
	[sflag:s4] =	ssyncpa.u1 $0x0;
	s5 =	smul.u32 $0x19, s30  }
0xc: {  	s12 =	simm.s32 $0x0;
	[sflag:s31] =	ssyncpa.u1 $0x0;
	p0 =	por $0x0, $0x0  }
0xd: {  	s6 =	sadd.s32 $0x18D600, s8;
	s7 =	sadd.s32 $0x19D600, s8;
	s8 =	sadd.s32 $0x1, s5  }
.LBB1_7:
0xe: {  	s15 =	sadd.s32 $0x2, s11  }
0xf: {  	p2 =	sgt.s32 s15, $0x31  }
0x10: {  	s15 =	simm.s32 @p2 $0x0;
	p2 =	sne.s32 s12, s8  }
.Ltmp1:
0x11: {  	p1 =	slt.u32 s12, $0x2;
	(pc) =	sbr.rel @!p2 .LBB1_8-.Ltmp1, $4  }
0x12: {  	s13 =	simm.s32 @!p1 $0x2  }
0x13: {  	s16 =	sadd.s32 $0x1, s12;
	s14 =	smov.u32 s11;
	_ =	swait.ge @!p1 [sflag:s13], $0x4000  }
0x14: {  	p0 =	por !p0, !p0;
	s12 =	smov.u32 s16;
	[sflag:s13] =	ssyncset.done @!p1 $0x0  }
0x15: {  	s11 =	smov.u32 s15;
	[sflag:s13] =	ssyncadd.s32 @!p1 $0xFFFFC000;
	s13 =	smov.u32 s2  }
.LBB1_1:
0x16: {  	p1 =	sge.u32 s12, s5  }
0x17: {  	s15 =	sxor.u32 @!p1 $0xFFFFFFFF, s12  }
0x18: {  	s16 =	sshll.u32 @!p1 s11, $0x10;
	s18 =	simm.s32 @!p1 $0x40;
	s15 =	sshll.u32 @!p1 s15, $0xE  }
0x19: {  	s19 =	simm.s32 @!p1 $0x80;
	s17 =	sadd.s32 @!p1 s16, s6;
	s15 =	sand.u32 @!p1 $0x4000, s15  }
0x1a: {  	[tilespmem:s15], [sflag:$0x1] =	stream.strided.gather @!p1 [hbm4b:s17+s18], $0x2000, s19, s18, $0x38;
	[tilespmem:$0x10100] =	vst v63  }
0x1b: {  	s31 =	sadd.s32 $0xFFFFFFFF, s12;
	s16 =	sadd.s32 @!p1 s16, s7;
	s15 =	sor.u32 @!p1 $0x2000, s15  }
0x1c: {  	[tilespmem:s15], [sflag:$0x1] =	stream.strided.gather @!p1 [hbm4b:s16+s18], $0x2000, s19, s18, $0x38;
	[tilespmem:$0x10100] =	vst v63  }
0x1d: {  	p1 =	sge.u32 s31, s5  }
.Ltmp2:
0x1e: {  	_ = 	snop;
	(pc) =	sbr.rel @p1 .LBB1_7-.Ltmp2, $1  }
0x1f: {  	_ =	sdelay $0x3  }
0x20: {  	s15 =	simm.s32 $0x1;
	s17 =	sand.u32 $0x1, s12  }
0x21: {  	_ =	swait.ge [sflag:s4], $0x4000;
	s15 =	simm.s32 @!p0 $0x0;
	s17 =	smul.u32 $0x10200, s17  }
0x22: {  	p2 =	por $0x1, $0x1;
	[sflag:s4] =	ssyncset.done $0x0;
	s16 =	smul.u32 $0x10200, s15  }
0x23: {  	s18 =	sshll.u32 s15, $0x10;
	[sflag:s4] =	ssyncadd.s32 $0xFFFFC000;
	s30 =	sshrl.u32 s17, $0x2  }
0x24: {  	s31 =	sshrl.u32 s18, $0x2;
	s18 =	simm.s32 $0x0;
	s16 =	sshrl.u32 s16, $0x2  }
0x25: {  	s15 =	sor.u32 $0x8000, s30;
	s17 =	sadd.s32 $0x20, s31;
	s16 =	sor.u32 $0x8000, s16  }
.LBB1_3:
0x26: {  	s19 =	sshll.u32 s18, $0xD  }
0x27: {  	s19 =	sand.u32 $0x3FFFE000, s19  }
0x28: {  	s21 =	sadd.s32 s19, s17  }
0x29: {  	s31 =	smul.u32 $0x8100, s18;
	v3 =	vld [tilespmem:s21+$0x10]  }
0x2a: {  	v1 =	vld [tilespmem:s21+$0xFFFFFFF0]  }
0x2b: {  	s18 =	sshra.s32 s31, $0x2;
	v0 =	vld [tilespmem:s21+$0x0]  }
0x2c: {  	s18 =	sadd.s32 s18, s16;
	v2 =	vld [tilespmem:s21+$0xFFFFFFE0]  }
0x2d: {  	s19 =	sadd.s32 $0x0, s18  }
0x2e: {  	p1 =	por p2, p2;
	s20 =	simm.s32 $0x4;
	s21 =	sadd.s32 $0x40, s21;
	[tilespmem:s19+$0x1830 ss:$0x81] =	vst.msk $0xffff, v3  }
.LBB1_4:
0x2f: {  	v3 =	vld [tilespmem:s21+$0x10];
	p2 =	sne.s32 s20, $0x1FC;
	[tilespmem:s19+$0x810 ss:$0x81] =	vst.msk $0xffff, v1;
	s22 =	smov.u32 s20;
	s20 =	sadd.s32 $0x4, s20  }
.Ltmp3:
0x30: {  	v1 =	vld [tilespmem:s21+$0xFFFFFFF0];
	[tilespmem:s19+$0x1020 ss:$0x81] =	vst.msk $0xffff, v0;
	(pc) =	sbr.rel @p2 .LBB1_4-.Ltmp3, $4  }
0x31: {  	v0 =	vld [tilespmem:s21+$0x0];
	[tilespmem:s19+$0x0 ss:$0x81] =	vst.msk $0xffff, v2  }
0x32: {  	s19 =	sshra.s32 s22, $0x2;
	v2 =	vld [tilespmem:s21+$0xFFFFFFE0]  }
0x33: {  	s19 =	sadd.s32 s19, s18  }
0x34: {  	s21 =	sadd.s32 $0x40, s21;
	[tilespmem:s19+$0x1830 ss:$0x81] =	vst.msk $0xffff, v3  }
.Ltmp4:
0x35: {  	(pc) =	sbr.rel @p1 .LBB1_3-.Ltmp4, $4  }
0x36: {  	_ = 	snop  }
0x37: {  	[tilespmem:s19+$0x810 ss:$0x81] =	vst.msk $0xffff, v1  }
0x38: {  	[tilespmem:s19+$0x1020 ss:$0x81] =	vst.msk $0xffff, v0  }
0x39: {  	s18 =	simm.s32 $0x1;
	p2 =	por $0x0, $0x0;
	[tilespmem:s19+$0x0 ss:$0x81] =	vst.msk $0xffff, v2  }
.Ltmp5:
0x3a: {  	(pc) =	sbr.rel .LBB1_7-.Ltmp5, $4  }
0x3b: {  	s14 =	sshll.u32 s14, $0xF  }
0x3c: {  	s14 =	sadd.s32 s3, s14  }
0x3d: {  	s13 =	sadd.s32 s13, s14  }
0x3e: {  	[hbm4b:s13+s9] =	stream.strided.scatter [tilespmem:s15], [sflag:$0x2], $0x4000, s10, s9, $0x20;
	[tilespmem:$0x10100] =	vst v63  }
.LBB1_8:
0x3f: {  	_ =	sfence.sel $0x180000  }
0x40: {  	s2 =	simm.s32 $0x1;
	[bflag:$0x0] =	sbarrier.arrive $0xFFFF  }
0x41: {  	s31 =	simm.s32 $0x2;
	[sflag:s2] =	ssyncpa.u1 $0x1  }
0x42: {  	[sflag:s31] =	ssyncpa.u1 $0x1  }
0x43: {  	p0 =	sne.s32 s0, $0x0;
	_ =	strace $0x9000004A  }
0x44: {  	s0 =	sadd.s32 @!p0 $0x100000, s1;
	[bflag:$0x2] =	sbarrier.arrive $0xFFFF  }
0x45: {  	[sflag:s0] =	ssyncadd.tile.s32 @!p0 $0x1;
	_ =	shalt  }
.Lfunc_end1:
_tile_overlayer_lowered:
.L_overlay_start_2:
0x46: {  	(tag) =	ssettag $0x2  }
0x47: {  	s0 =	rddreg [dreg:$0x0];
	s2 =	stileid.u32  }
0x48: {  	s1 =	rddreg [dreg:$0x1];
	p0 =	sne.s32 s2, $0x0  }
0x49: {  	s3 =	rddreg [dreg:$0x2];
	[bflag:$0x3] =	sbarrier.arrive $0xFFFF;
	s2 =	simm.s32 @!p0 $0x1C01  }
0x4a: {  	[timem:s3], [sflag:s2] =	dma.local @!p0 [hbm:s0], s1  }
0x4b: {  	s0 =	simm.s32 @!p0 $0x1  }
0x4c: {  	_ =	swait.ge @!p0 [sflag:s0], s1  }
0x4d: {  	s1 =	ssub.s32 @!p0 $0x0, s1;
	[sflag:s0] =	ssyncset.done @!p0 $0x0  }
0x4e: {  	[sflag:s0] =	ssyncadd.s32 @!p0 s1  }
0x4f: {  	[bflag:$0x3] =	sbarrier.arrive $0xFFFF  }
0x50: {  	_ =	shalt  }

</sc_bundles>
